<compile_context>
chip_gen: v7x
topology: tpu7x:2x2x1
jax: 0.10.2.dev20260603
libtpu: 0.0.44.dev20260713+nightly
codegen_flags: <defaults>
</compile_context>

<pallas_src>
import jax
import jax.numpy as jnp
from jax import lax
from jax.experimental import pallas as pl
from jax.experimental.pallas import tpu as pltpu
from jax.experimental.pallas import tpu_sc as plsc

N = 10000
E = 320000
D = 128

NC = 2
NS = 16
NW = NC * NS
CHUNK = 128
G = -(-E // (NW * CHUNK))
GT = NW * G
EPAD = GT * CHUNK
N_ACC = 10112
ZROWS = N_ACC // NS


def _sc_body(feat_hbm, src_hbm, dst_hbm, zeros_hbm, out_hbm,
             sidx_v, didx_v, rows_v, acc_sh, zsem, gsem):
    c = lax.axis_index("c")
    s = lax.axis_index("s")

    pltpu.async_copy(zeros_hbm.at[pl.ds(s * ZROWS, ZROWS)],
                     acc_sh.at[pl.ds(s * ZROWS, ZROWS)], zsem).wait()
    plsc.subcore_barrier()

    wid = s * NC + c
    base = wid * G

    @pl.loop(0, G)
    def _chunk(i):
        pltpu.sync_copy(src_hbm.at[base + i], sidx_v)
        pltpu.sync_copy(dst_hbm.at[base + i], didx_v)
        pltpu.async_copy(feat_hbm.at[sidx_v], rows_v, gsem).wait()
        pltpu.sync_copy(rows_v, acc_sh.at[didx_v], add=True)

    plsc.subcore_barrier()
    pltpu.sync_copy(acc_sh.at[pl.ds(s * ZROWS, ZROWS)],
                    out_hbm.at[c, pl.ds(s * ZROWS, ZROWS)])


@jax.jit
def _sc_partials(feat, src, dst, zeros):
    mesh = plsc.VectorSubcoreMesh(core_axis_name="c", subcore_axis_name="s")
    return pl.kernel(
        _sc_body,
        out_type=jax.ShapeDtypeStruct((NC, N_ACC, D), jnp.float32),
        mesh=mesh,
        scratch_types=[
            pltpu.VMEM((CHUNK,), jnp.int32),
            pltpu.VMEM((CHUNK,), jnp.int32),
            pltpu.VMEM((CHUNK, D), jnp.float32),
            pltpu.VMEM_SHARED((N_ACC, D), jnp.float32),
            pltpu.SemaphoreType.DMA,
            pltpu.SemaphoreType.DMA,
        ],
    )(feat, src, dst, zeros)


def _combine_body(p_ref, o_ref):
    o_ref[...] = p_ref[0] + p_ref[1]


@jax.jit
def _combine(partials):
    bn = 1000
    return pl.pallas_call(
        _combine_body,
        grid=(N // bn,),
        in_specs=[pl.BlockSpec((NC, bn, D), lambda i: (0, i, 0))],
        out_specs=pl.BlockSpec((bn, D), lambda i: (i, 0)),
        out_shape=jax.ShapeDtypeStruct((N, D), jnp.float32),
    )(partials)


def kernel(feat, edge_index):
    src = edge_index[0].astype(jnp.int32)
    dst = edge_index[1].astype(jnp.int32)
    pad = EPAD - E
    src = jnp.concatenate([src, jnp.zeros((pad,), jnp.int32)]).reshape(GT, CHUNK)
    dst = jnp.concatenate([dst, jnp.full((pad,), N, jnp.int32)]).reshape(GT, CHUNK)
    zeros = jnp.zeros((N_ACC, D), jnp.float32)
    partials = _sc_partials(feat, src, dst, zeros)
    return _combine(partials)

# --- scband reference (transcript-rebuilt; emitter-appended) ---
"""Pipeline reference for scband-gather-87892210746075 (READ-ONLY COPY).

The authoritative reference and input builder live on the scoring server;
editing this copy changes nothing except your own understanding.
"""

import jax, jax.numpy as jnp
import numpy as np

N_NODES = 10000
N_EDGES = 320000
D_FEAT = 128


def setup_inputs(seed: int = 0) -> dict:
    key = jax.random.key(seed)
    k1, k2 = jax.random.split(key)
    feat = jax.random.normal(k1, (N_NODES, D_FEAT), dtype=jnp.float32)
    edge_index = jax.random.randint(k2, (2, N_EDGES), 0, N_NODES, dtype=jnp.int64)
    return {"feat": feat, "edge_index": edge_index}


def reference(feat, edge_index):
    # DGL copy_src('h','m') + fn.sum('m','h'):
    # gather source features along edges, scatter-add into destination nodes.
    src = edge_index[0]
    dst = edge_index[1]
    msgs = jnp.take(feat, src, axis=0)               # gather: [E, d]
    rst = jax.ops.segment_sum(msgs, dst, num_segments=feat.shape[0])  # scatter-add: [N, d]
    return rst

if __name__ == "__main__":
    import jax
    _d = setup_inputs()
    print(jax.jit(kernel)(*tuple(_d.values())))

</pallas_src>

<mosaic_0001>
#map = affine_map<(d0, d1) -> (0, 0)>
#map1 = affine_map<(d0, d1) -> (0, 0, 0)>
module attributes {stable_mosaic.version = 14 : i64} {
  func.func @_sc_body(%arg0: i32, %arg1: i32, %arg2: memref<10000x128xf32, #tpu.memory_space<hbm>>, %arg3: memref<2528x128xi32, #tpu.memory_space<hbm>>, %arg4: memref<2528x128xi32, #tpu.memory_space<hbm>>, %arg5: memref<10112x128xf32, #tpu.memory_space<hbm>>, %arg6: memref<2x10112x128xf32, #tpu.memory_space<hbm>>, %arg7: memref<128xi32, #tpu.memory_space<vmem>>, %arg8: memref<128xi32, #tpu.memory_space<vmem>>, %arg9: memref<128x128xf32, #tpu.memory_space<vmem>>, %arg10: memref<10112x128xf32, #tpu.memory_space<vmem_shared>>, %arg11: memref<!tpu.dma_semaphore, #tpu.memory_space<semaphore_mem>>, %arg12: memref<!tpu.dma_semaphore, #tpu.memory_space<semaphore_mem>>) attributes {dimension_semantics = [#tpu.dimension_semantics<core_parallel>, #tpu.dimension_semantics<subcore_parallel>], iteration_bounds = array<i64: 2, 16>, scalar_prefetch = 0 : i64, scratch_operands = 6 : i64, tpu.core_type = #tpu.core_type<sc_vector_subcore>, window_params = [{transform_indices = #map}, {transform_indices = #map}, {transform_indices = #map}, {transform_indices = #map}, {transform_indices = #map1}]} {
    %mul3A = arith.constant 632 : i32
    %mul3A_0 = arith.muli %arg1, %mul3A : i32
    %mul3A_1 = arith.constant 632 : i32
    %mul3A_2 = arith.muli %arg1, %mul3A_1 : i32
    %dma_start3A = arith.constant 0 : i32
    %dma_start3A_3 = tpu.memref_slice %arg10[%mul3A_2, %dma_start3A] : memref<10112x128xf32, #tpu.memory_space<vmem_shared>> -> memref<632x128xf32, #tpu.memory_space<vmem_shared>>
    %dma_start3A_4 = arith.constant 0 : i32
    %dma_start3A_5 = tpu.memref_slice %arg5[%mul3A_0, %dma_start3A_4] : memref<10112x128xf32, #tpu.memory_space<hbm>> -> memref<632x128xf32, #tpu.memory_space<hbm>>
    tpu.enqueue_dma source(%dma_start3A_5 : memref<632x128xf32, #tpu.memory_space<hbm>>) target(%dma_start3A_3 : memref<632x128xf32, #tpu.memory_space<vmem_shared>>) target_semaphore(%arg11 : memref<!tpu.dma_semaphore, #tpu.memory_space<semaphore_mem>>)
    %dma_wait3A = arith.constant 0 : i32
    %dma_wait3A_6 = tpu.memref_slice %arg10[%mul3A_2, %dma_wait3A] : memref<10112x128xf32, #tpu.memory_space<vmem_shared>> -> memref<632x128xf32, #tpu.memory_space<vmem_shared>>
    %dma_wait3A_7 = arith.constant 0 : i32
    %dma_wait3A_8 = tpu.memref_slice %arg5[%mul3A_0, %dma_wait3A_7] : memref<10112x128xf32, #tpu.memory_space<hbm>> -> memref<632x128xf32, #tpu.memory_space<hbm>>
    tpu.wait_dma2 semaphore(%arg11 : memref<!tpu.dma_semaphore, #tpu.memory_space<semaphore_mem>>) src(%dma_wait3A_8 : memref<632x128xf32, #tpu.memory_space<hbm>>) dst(%dma_wait3A_6 : memref<632x128xf32, #tpu.memory_space<vmem_shared>>)
    %barrier3A = arith.constant 0 : index
    tpu.barrier barrier_id(%barrier3A)
    %mul3A_9 = arith.constant 2 : i32
    %mul3A_10 = arith.muli %arg1, %mul3A_9 : i32
    %add3A = arith.addi %mul3A_10, %arg0 : i32
    %mul3A_11 = arith.constant 79 : i32
    %mul3A_12 = arith.muli %add3A, %mul3A_11 : i32
    %scan3A = arith.constant 0 : i32
    %scan3A_13 = arith.constant 79 : i32
    %scan3A_14 = arith.addi %scan3A, %scan3A_13 : i32
    %scan3A_15 = arith.constant 1 : i32
    scf.for %scan3A_22 = %scan3A to %scan3A_14 step %scan3A_15  : i32 {
      %mul3A_23 = arith.constant 1 : i32
      %mul3A_24 = arith.muli %scan3A_22, %mul3A_23 : i32
      %add3A_25 = arith.constant 0 : i32
      %add3A_26 = arith.addi %add3A_25, %mul3A_24 : i32
      %add3A_27 = arith.addi %mul3A_12, %add3A_26 : i32
      "tpu.region"() ({
        %run_scoped3A = tpu.sem_alloc : memref<!tpu.dma_semaphore, #tpu.memory_space<semaphore_mem>>
        %dma_start3A_35 = arith.constant 0 : i32
        %dma_start3A_36 = tpu.memref_slice %arg3[%add3A_27, %dma_start3A_35] : memref<2528x128xi32, #tpu.memory_space<hbm>> -> memref<1x128xi32, #tpu.memory_space<hbm>>
        %dma_start3A_37 = tpu.memref_squeeze %dma_start3A_36 : memref<1x128xi32, #tpu.memory_space<hbm>> -> memref<128xi32, #tpu.memory_space<hbm>>
        %dma_start3A_38 = arith.constant 0 : i32
        %dma_start3A_39 = tpu.memref_slice %arg3[%add3A_27, %dma_start3A_38] : memref<2528x128xi32, #tpu.memory_space<hbm>> -> memref<1x128xi32, #tpu.memory_space<hbm>>
        %dma_start3A_40 = tpu.memref_squeeze %dma_start3A_39 : memref<1x128xi32, #tpu.memory_space<hbm>> -> memref<128xi32, #tpu.memory_space<hbm>>
        tpu.enqueue_dma source(%dma_start3A_40 : memref<128xi32, #tpu.memory_space<hbm>>) target(%arg7 : memref<128xi32, #tpu.memory_space<vmem>>) target_semaphore(%run_scoped3A : memref<!tpu.dma_semaphore, #tpu.memory_space<semaphore_mem>>)
        %dma_wait3A_41 = arith.constant 0 : i32
        %dma_wait3A_42 = tpu.memref_slice %arg3[%add3A_27, %dma_wait3A_41] : memref<2528x128xi32, #tpu.memory_space<hbm>> -> memref<1x128xi32, #tpu.memory_space<hbm>>
        %dma_wait3A_43 = tpu.memref_squeeze %dma_wait3A_42 : memref<1x128xi32, #tpu.memory_space<hbm>> -> memref<128xi32, #tpu.memory_space<hbm>>
        %dma_wait3A_44 = arith.constant 0 : i32
        %dma_wait3A_45 = tpu.memref_slice %arg3[%add3A_27, %dma_wait3A_44] : memref<2528x128xi32, #tpu.memory_space<hbm>> -> memref<1x128xi32, #tpu.memory_space<hbm>>
        %dma_wait3A_46 = tpu.memref_squeeze %dma_wait3A_45 : memref<1x128xi32, #tpu.memory_space<hbm>> -> memref<128xi32, #tpu.memory_space<hbm>>
        tpu.wait_dma2 semaphore(%run_scoped3A : memref<!tpu.dma_semaphore, #tpu.memory_space<semaphore_mem>>) src(%dma_wait3A_46 : memref<128xi32, #tpu.memory_space<hbm>>) dst(%arg7 : memref<128xi32, #tpu.memory_space<vmem>>)
        tpu.yield
      }) : () -> ()
      %add3A_28 = arith.addi %mul3A_12, %add3A_26 : i32
      "tpu.region"() ({
        %run_scoped3A = tpu.sem_alloc : memref<!tpu.dma_semaphore, #tpu.memory_space<semaphore_mem>>
        %dma_start3A_35 = arith.constant 0 : i32
        %dma_start3A_36 = tpu.memref_slice %arg4[%add3A_28, %dma_start3A_35] : memref<2528x128xi32, #tpu.memory_space<hbm>> -> memref<1x128xi32, #tpu.memory_space<hbm>>
        %dma_start3A_37 = tpu.memref_squeeze %dma_start3A_36 : memref<1x128xi32, #tpu.memory_space<hbm>> -> memref<128xi32, #tpu.memory_space<hbm>>
        %dma_start3A_38 = arith.constant 0 : i32
        %dma_start3A_39 = tpu.memref_slice %arg4[%add3A_28, %dma_start3A_38] : memref<2528x128xi32, #tpu.memory_space<hbm>> -> memref<1x128xi32, #tpu.memory_space<hbm>>
        %dma_start3A_40 = tpu.memref_squeeze %dma_start3A_39 : memref<1x128xi32, #tpu.memory_space<hbm>> -> memref<128xi32, #tpu.memory_space<hbm>>
        tpu.enqueue_dma source(%dma_start3A_40 : memref<128xi32, #tpu.memory_space<hbm>>) target(%arg8 : memref<128xi32, #tpu.memory_space<vmem>>) target_semaphore(%run_scoped3A : memref<!tpu.dma_semaphore, #tpu.memory_space<semaphore_mem>>)
        %dma_wait3A_41 = arith.constant 0 : i32
        %dma_wait3A_42 = tpu.memref_slice %arg4[%add3A_28, %dma_wait3A_41] : memref<2528x128xi32, #tpu.memory_space<hbm>> -> memref<1x128xi32, #tpu.memory_space<hbm>>
        %dma_wait3A_43 = tpu.memref_squeeze %dma_wait3A_42 : memref<1x128xi32, #tpu.memory_space<hbm>> -> memref<128xi32, #tpu.memory_space<hbm>>
        %dma_wait3A_44 = arith.constant 0 : i32
        %dma_wait3A_45 = tpu.memref_slice %arg4[%add3A_28, %dma_wait3A_44] : memref<2528x128xi32, #tpu.memory_space<hbm>> -> memref<1x128xi32, #tpu.memory_space<hbm>>
        %dma_wait3A_46 = tpu.memref_squeeze %dma_wait3A_45 : memref<1x128xi32, #tpu.memory_space<hbm>> -> memref<128xi32, #tpu.memory_space<hbm>>
        tpu.wait_dma2 semaphore(%run_scoped3A : memref<!tpu.dma_semaphore, #tpu.memory_space<semaphore_mem>>) src(%dma_wait3A_46 : memref<128xi32, #tpu.memory_space<hbm>>) dst(%arg8 : memref<128xi32, #tpu.memory_space<vmem>>)
        tpu.yield
      }) : () -> ()
      %dma_start3A_29 = arith.constant 0 : i32
      %dma_start3A_30 = arith.constant 0 : i32
      %dma_start3A_31 = tpu.memref_slice %arg2[%dma_start3A_29, %dma_start3A_30] : memref<10000x128xf32, #tpu.memory_space<hbm>> -> memref<10000x128xf32, #tpu.memory_space<hbm>>
      tpu.enqueue_indirect_dma source(%dma_start3A_31 : memref<10000x128xf32, #tpu.memory_space<hbm>>) target(%arg9 : memref<128x128xf32, #tpu.memory_space<vmem>>) offsets(%arg7 : memref<128xi32, #tpu.memory_space<vmem>>) semaphore(%arg12 : memref<!tpu.dma_semaphore, #tpu.memory_space<semaphore_mem>>)
      %dma_wait3A_32 = arith.constant 0 : i32
      %dma_wait3A_33 = arith.constant 0 : i32
      %dma_wait3A_34 = tpu.memref_slice %arg2[%dma_wait3A_32, %dma_wait3A_33] : memref<10000x128xf32, #tpu.memory_space<hbm>> -> memref<10000x128xf32, #tpu.memory_space<hbm>>
      tpu.wait_indirect_dma semaphore(%arg12 : memref<!tpu.dma_semaphore, #tpu.memory_space<semaphore_mem>>) src(%dma_wait3A_34 : memref<10000x128xf32, #tpu.memory_space<hbm>>) dst(%arg9 : memref<128x128xf32, #tpu.memory_space<vmem>>)
      "tpu.region"() ({
        %run_scoped3A = tpu.sem_alloc : memref<!tpu.dma_semaphore, #tpu.memory_space<semaphore_mem>>
        %dma_start3A_35 = arith.constant 0 : i32
        %dma_start3A_36 = arith.constant 0 : i32
        %dma_start3A_37 = tpu.memref_slice %arg10[%dma_start3A_35, %dma_start3A_36] : memref<10112x128xf32, #tpu.memory_space<vmem_shared>> -> memref<10112x128xf32, #tpu.memory_space<vmem_shared>>
        tpu.enqueue_indirect_dma source(%arg9 : memref<128x128xf32, #tpu.memory_space<vmem>>) target(%dma_start3A_37 : memref<10112x128xf32, #tpu.memory_space<vmem_shared>>) offsets(%arg8 : memref<128xi32, #tpu.memory_space<vmem>>) semaphore(%run_scoped3A : memref<!tpu.dma_semaphore, #tpu.memory_space<semaphore_mem>>) {add = true}
        %dma_wait3A_38 = arith.constant 0 : i32
        %dma_wait3A_39 = arith.constant 0 : i32
        %dma_wait3A_40 = tpu.memref_slice %arg10[%dma_wait3A_38, %dma_wait3A_39] : memref<10112x128xf32, #tpu.memory_space<vmem_shared>> -> memref<10112x128xf32, #tpu.memory_space<vmem_shared>>
        tpu.wait_indirect_dma semaphore(%run_scoped3A : memref<!tpu.dma_semaphore, #tpu.memory_space<semaphore_mem>>) src(%arg9 : memref<128x128xf32, #tpu.memory_space<vmem>>) dst(%dma_wait3A_40 : memref<10112x128xf32, #tpu.memory_space<vmem_shared>>)
        tpu.yield
      }) : () -> ()
    }
    %scan3A_16 = arith.constant 79 : i32
    %barrier3A_17 = arith.constant 0 : index
    tpu.barrier barrier_id(%barrier3A_17)
    %mul3A_18 = arith.constant 632 : i32
    %mul3A_19 = arith.muli %arg1, %mul3A_18 : i32
    %mul3A_20 = arith.constant 632 : i32
    %mul3A_21 = arith.muli %arg1, %mul3A_20 : i32
    "tpu.region"() ({
      %run_scoped3A = tpu.sem_alloc : memref<!tpu.dma_semaphore, #tpu.memory_space<semaphore_mem>>
      %dma_start3A_22 = arith.constant 0 : i32
      %dma_start3A_23 = tpu.memref_slice %arg6[%arg0, %mul3A_21, %dma_start3A_22] : memref<2x10112x128xf32, #tpu.memory_space<hbm>> -> memref<1x632x128xf32, #tpu.memory_space<hbm>>
      %dma_start3A_24 = tpu.memref_squeeze %dma_start3A_23 : memref<1x632x128xf32, #tpu.memory_space<hbm>> -> memref<632x128xf32, #tpu.memory_space<hbm>>
      %dma_start3A_25 = arith.constant 0 : i32
      %dma_start3A_26 = tpu.memref_slice %arg10[%mul3A_19, %dma_start3A_25] : memref<10112x128xf32, #tpu.memory_space<vmem_shared>> -> memref<632x128xf32, #tpu.memory_space<vmem_shared>>
      tpu.enqueue_dma source(%dma_start3A_26 : memref<632x128xf32, #tpu.memory_space<vmem_shared>>) target(%dma_start3A_24 : memref<632x128xf32, #tpu.memory_space<hbm>>) target_semaphore(%run_scoped3A : memref<!tpu.dma_semaphore, #tpu.memory_space<semaphore_mem>>)
      %dma_wait3A_27 = arith.constant 0 : i32
      %dma_wait3A_28 = tpu.memref_slice %arg6[%arg0, %mul3A_21, %dma_wait3A_27] : memref<2x10112x128xf32, #tpu.memory_space<hbm>> -> memref<1x632x128xf32, #tpu.memory_space<hbm>>
      %dma_wait3A_29 = tpu.memref_squeeze %dma_wait3A_28 : memref<1x632x128xf32, #tpu.memory_space<hbm>> -> memref<632x128xf32, #tpu.memory_space<hbm>>
      %dma_wait3A_30 = arith.constant 0 : i32
      %dma_wait3A_31 = tpu.memref_slice %arg10[%mul3A_19, %dma_wait3A_30] : memref<10112x128xf32, #tpu.memory_space<vmem_shared>> -> memref<632x128xf32, #tpu.memory_space<vmem_shared>>
      tpu.wait_dma2 semaphore(%run_scoped3A : memref<!tpu.dma_semaphore, #tpu.memory_space<semaphore_mem>>) src(%dma_wait3A_31 : memref<632x128xf32, #tpu.memory_space<vmem_shared>>) dst(%dma_wait3A_29 : memref<632x128xf32, #tpu.memory_space<hbm>>)
      tpu.yield
    }) : () -> ()
    return
  }
}

</mosaic_0001>

<sc_bundles>
// kernel: _sc_partials.3.cloned.1.call-start
scs
__scs_entry_jumppad:
0x0: {  	(pc) =	sbr.rel $0x88, $3  }
0x1: {  	(tag) =	ssettag $0x0;
	lr =	simm.s32 $0x1  }
0x2: {  	[smem:$0x3F9D] =	sst lr;
	_ =	strace $0xD0000000  }
0x3: {  	_ = 	snop  }
0x4: {  	_ = 	snop  }
0x5: {  	_ = 	snop  }
0x6: {  	_ = 	snop  }
0x7: {  	_ = 	snop  }
__scs_overlays_trampoline_lowered:
0x8: {  	[smem:$0x3FAC] =	sst s0  }
0x9: {  	[smem:$0x3FAD] =	sst s1  }
0xa: {  	[smem:$0x3FAE] =	sst s2  }
0xb: {  	[smem:$0x3FAF] =	sst s3  }
0xc: {  	[smem:$0x3FB0] =	sst s4  }
0xd: {  	[smem:$0x3FB1] =	sst s5  }
0xe: {  	[smem:$0x3FB2] =	sst s6  }
0xf: {  	[smem:$0x3FB3] =	sst s7  }
0x10: {  	[smem:$0x3FB4] =	sst s8  }
0x11: {  	[smem:$0x3FB5] =	sst s9;
	s0 =	simm.s32 @!p0 $0x0  }
0x12: {  	s1 =	sld [smem:$0x3F9B];
	s0 =	simm.s32 @p0 $0x1  }
0x13: {  	[smem:$0x3FB6] =	sst s0;
	s0 =	simm.s32 @!p1 $0x0  }
0x14: {  	s2 =	sld [smem:$0x3F9A];
	s0 =	simm.s32 @p1 $0x1  }
0x15: {  	[smem:$0x3FB7] =	sst s0;
	s0 =	simm.s32 @!p2 $0x0  }
0x16: {  	s3 =	sld [smem:$0x3FDB];
	s0 =	simm.s32 @p2 $0x1  }
0x17: {  	s4 =	simm.s32 $0x1BF5;
	[smem:$0x3FB9] =	sst s0  }
0x18: {  	s0 =	sld [smem:$0x3F9C];
	_ =	swait.ge [sflag:s4], $0x0  }
0x19: {  	s7 =	sld [smem:$0x3F9D]  }
0x1a: {  	s8 =	sadd.s32 $0xFFFFE003, lr  }
0x1b: {  	s9 =	sadd.s32 $0xFFFFFEF7, lr;
	s5 =	simm.s32 $0xFFFFFFFF;
	p2 =	slt.u32 s8, $0xFFFFF086  }
0x1c: {  	p1 =	slt.u32 s9, $0xF7A;
	s5 =	simm.s32 @!p2 $0x0  }
0x1d: {  	s5 =	simm.s32 @p1 $0x1;
	p0 =	seq.s32 s7, s2  }
0x1e: {  	s7 =	smul.u32 @!p0 $0xF7A, s2;
	p2 =	seq.s32 @!p0 s5, $0x0  }
0x1f: {  	s9 =	smul.u32 $0xF7A, s1;
	s8 =	simm.s32 @!p0 $0x1BF5;
	p2 =	por !p2, p0  }
0x20: {  	[sflag:s8] =	ssyncset.s32 @!p0 $0xFFFFF086;
	s6 =	sadd.s32 @!p0 s3, s7;
	s7 =	simm.s32 @!p0 $0x108  }
0x21: {  	s3 =	sadd.s32 s3, s9;
	s6 =	sadd.s32 @!p0 $0x88, s6;
	s7 =	simm.s32 @p2 $0x1082  }
0x22: {  	[simem:s7], [sflag:s8] =	dma.local @!p0 [hbm:s6], $0xF7A  }
0x23: {  	s9 =	sor.u32 $0xD0000000, s2;
	s6 =	simm.s32 $0x108;
	_ =	swait.ge @!p0 [sflag:s8], $0x0  }
0x24: {  	s3 =	sadd.s32 $0x88, s3;
	s6 =	simm.s32 @!p1 $0x1082;
	[sflag:s4] =	ssyncset.s32 $0xFFFFF086  }
0x25: {  	[simem:s6], [sflag:s4] =	dma.local [hbm:s3], $0xF7A  }
0x26: {  	[smem:$0x3F9D] =	sst s1;
	(tag) =	ssettag s2;
	_ =	strace s9  }
0x27: {  	s1 =	sld [smem:$0x3FAD]  }
0x28: {  	s2 =	sld [smem:$0x3FAE]  }
0x29: {  	s4 =	sld [smem:$0x3FB0]  }
0x2a: {  	p0 =	seq.s32 s5, $0x0;
	s5 =	sld [smem:$0x3FB1]  }
0x2b: {  	s6 =	sld [smem:$0x3FB2]  }
0x2c: {  	s7 =	sld [smem:$0x3FB3]  }
0x2d: {  	s3 =	simm.s32 $0x108;
	s8 =	sld [smem:$0x3FB4]  }
0x2e: {  	s3 =	simm.s32 @!p0 $0x1082;
	s9 =	sld [smem:$0x3FB5]  }
0x2f: {  	lr =	sadd.s32 s0, s3;
	s0 =	sld [smem:$0x3FAC]  }
0x30: {  	s3 =	sld [smem:$0x3FAF]  }
0x31: {  	[smem:$0x3FB8] =	sst s10  }
0x32: {  	s10 =	sld [smem:$0x3FB6];
	_ =	sdelay $0x3  }
0x33: {  	p0 =	seq.s32 s10, $0x1;
	s10 =	sld [smem:$0x3FB8];
	_ =	sdelay $0x3  }
0x34: {  	[smem:$0x3FB8] =	sst s10  }
0x35: {  	s10 =	sld [smem:$0x3FB7];
	_ =	sdelay $0x3  }
0x36: {  	p1 =	seq.s32 s10, $0x1;
	s10 =	sld [smem:$0x3FB8];
	_ =	sdelay $0x3  }
0x37: {  	[smem:$0x3FB8] =	sst s10  }
0x38: {  	s10 =	sld [smem:$0x3FB9]  }
0x39: {  	_ = 	snop;
	(pc) =	sbr.ind lr, $3  }
0x3a: {  	_ = 	snop  }
0x3b: {  	_ = 	snop  }
0x3c: {  	p2 =	seq.s32 s10, $0x1;
	s10 =	sld [smem:$0x3FB8]  }
0x3d: {  	_ =	shalt  }
0x3e: {  	_ =	shalt  }
0x3f: {  	_ =	shalt  }
0x40: {  	_ =	shalt  }
0x41: {  	_ =	shalt  }
0x42: {  	_ =	shalt  }
0x43: {  	_ =	shalt  }
0x44: {  	_ =	shalt  }
0x45: {  	_ =	shalt  }
0x46: {  	_ =	shalt  }
0x47: {  	_ =	shalt  }
0x48: {  	_ =	shalt  }
0x49: {  	_ =	shalt  }
0x4a: {  	_ =	shalt  }
0x4b: {  	_ =	shalt  }
0x4c: {  	_ =	shalt  }
0x4d: {  	_ =	shalt  }
0x4e: {  	_ =	shalt  }
0x4f: {  	_ =	shalt  }
0x50: {  	_ =	shalt  }
0x51: {  	_ =	shalt  }
0x52: {  	_ =	shalt  }
0x53: {  	_ =	shalt  }
0x54: {  	_ =	shalt  }
0x55: {  	_ =	shalt  }
0x56: {  	_ =	shalt  }
0x57: {  	_ =	shalt  }
0x58: {  	_ =	shalt  }
0x59: {  	_ =	shalt  }
0x5a: {  	_ =	shalt  }
0x5b: {  	_ =	shalt  }
0x5c: {  	_ =	shalt  }
0x5d: {  	_ =	shalt  }
0x5e: {  	_ =	shalt  }
0x5f: {  	_ =	shalt  }
0x60: {  	_ =	shalt  }
0x61: {  	_ =	shalt  }
0x62: {  	_ =	shalt  }
0x63: {  	_ =	shalt  }
0x64: {  	_ =	shalt  }
0x65: {  	_ =	shalt  }
0x66: {  	_ =	shalt  }
0x67: {  	_ =	shalt  }
0x68: {  	_ =	shalt  }
0x69: {  	_ =	shalt  }
0x6a: {  	_ =	shalt  }
0x6b: {  	_ =	shalt  }
0x6c: {  	_ =	shalt  }
0x6d: {  	_ =	shalt  }
0x6e: {  	_ =	shalt  }
0x6f: {  	_ =	shalt  }
0x70: {  	_ =	shalt  }
0x71: {  	_ =	shalt  }
0x72: {  	_ =	shalt  }
0x73: {  	_ =	shalt  }
0x74: {  	_ =	shalt  }
0x75: {  	_ =	shalt  }
0x76: {  	_ =	shalt  }
0x77: {  	_ =	shalt  }
0x78: {  	_ =	shalt  }
0x79: {  	_ =	shalt  }
0x7a: {  	_ =	shalt  }
0x7b: {  	_ =	shalt  }
0x7c: {  	_ =	shalt  }
0x7d: {  	_ =	shalt  }
0x7e: {  	_ =	shalt  }
0x7f: {  	_ =	shalt  }
0x80: {  	_ =	shalt  }
0x81: {  	_ =	shalt  }
0x82: {  	_ =	shalt  }
0x83: {  	_ =	shalt  }
0x84: {  	_ =	shalt  }
0x85: {  	_ =	shalt  }
0x86: {  	_ =	shalt  }
0x87: {  	_ =	shalt  }
.Lfunc_end0:
.L_simem_size_0:
called_computation_lowered:
.L_overlay_start_0:
0x88: {  	s2 =	sld [smem:$0x3FD9]  }
0x89: {  	s3 =	sld [smem:$0x3FFE];
	_ =	sdelay $0x1  }
0x8a: {  	s1 =	srdreg.scid  }
0x8b: {  	s0 =	sand.u32 $0x1, s1  }
0x8c: {  	s18 =	sshll.u32 s0, $0xA;
	s2 =	sadd.s32 s3, s2  }
0x8d: {  	s2 =	sadd.s32 s2, s18  }
0x8e: {  	[smem:$0x3FC4] =	sst s2  }
0x8f: {  	_ = 	snop  }
0x90: {  	s2 =	sld [smem:$0x3FC9]  }
0x91: {  	s19 =	sld [smem:$0x3FC8]  }
0x92: {  	s4 =	sld [smem:$0x3FC7]  }
0x93: {  	s5 =	sld [smem:$0x3FC6]  }
0x94: {  	s6 =	sld [smem:$0x3FD0];
	(tm) =	ssettm $0x1  }
0x95: {  	s7 =	sld [smem:$0x3FFB];
	_ =	sdelay $0x3  }
0x96: {  	_ =	strace s7  }
0x97: {  	s7 =	sld [smem:$0x3FFC];
	_ =	sdelay $0x3  }
0x98: {  	_ =	strace s7  }
0x99: {  	s7 =	sld [smem:$0x3FFD];
	_ =	sdelay $0x3  }
0x9a: {  	_ =	strace s7  }
0x9b: {  	_ =	strace $0x8FFFFFFF  }
0x9c: {  	s20 =	sld [smem:$0x3FDB];
	_ =	sdelay $0x1  }
0x9d: {  	s8 =	simm.s32 $_scs_section_size  }
0x9e: {  	s9 =	simm.s32 $_size__tile_overlayer_lowered;
	s10 =	simm.s32 $_tile_overlayer_lowered  }
0x9f: {  	s23 =	simm.s32 $0x1BFF;
	s22 =	sshll.u32 s10, $0x1;
	s7 =	sadd.s32 s8, s20  }
0xa0: {  	s11 =	simm.s32 $0x0;
	s21 =	sshll.u32 s9, $0x1;
	s9 =	sadd.s32 s22, s7  }
0xa1: {  	[timem:s11], [sflag:s23] =	dma.local [hbm:s9], s21  }
0xa2: {  	_ =	swait.ge [sflag:s23], s21  }
0xa3: {  	s8 =	ssub.s32 $0x0, s21;
	[sflag:s23] =	ssyncset.done $0x0  }
0xa4: {  	[sflag:s23] =	ssyncadd.s32 s8;
	_ =	sdelay $0x1  }
0xa5: {  	s24 =	simm.s32 $0x1B8B  }
0xa6: {  	_ =	swait.ge [sflag:s24], $0x1  }
0xa7: {  	[sflag:s24] =	ssyncset.done $0x0  }
0xa8: {  	s25 =	simm.s32 $0x1B8E;
	[sflag:s24] =	ssyncadd.s32 $0xFFFFFFFF  }
0xa9: {  	s26 =	simm.s32 $execute0_lowered;
	[smem:$0x3FD2] =	sst s25  }
0xaa: {  	s8 =	sshll.u32 s26, $0x1;
	_ =	strace $0x80000046;
	[dreg:$0x1] =	wrdreg $0xFFFFFFFF  }
0xab: {  	s28 =	simm.s32 $_size_execute0_lowered;
	s7 =	sadd.s32 s7, s8;
	[dreg:$0x0] =	wrdreg $0x0  }
0xac: {  	s8 =	sshll.u32 s28, $0x1;
	[dreg:$0x2] =	wrdreg s7  }
0xad: {  	[dreg:$0x3] =	wrdreg s8  }
0xae: {  	[dreg:$0x4] =	wrdreg $0xC0  }
0xaf: {  	_ =	task [dreg:s11], $0x5FFFF  }
0xb0: {  	[dreg:$0x1] =	wrdreg $0xFFFFFFFF  }
0xb1: {  	[dreg:$0x0] =	wrdreg $0x60  }
0xb2: {  	[dreg:$0x2] =	wrdreg s2  }
0xb3: {  	[dreg:$0x3] =	wrdreg s19  }
0xb4: {  	[dreg:$0x4] =	wrdreg s4  }
0xb5: {  	[dreg:$0x5] =	wrdreg s5  }
0xb6: {  	[dreg:$0x6] =	wrdreg s6  }
0xb7: {  	[dreg:$0x7] =	wrdreg $0x41000  }
0xb8: {  	[dreg:$0x8] =	wrdreg $0x9  }
0xb9: {  	_ =	task.clear_ibuf [dreg:s11], $0x9FFFF;
	_ =	strace $0x90000046  }
0xba: {  	s29 =	simm.s32 $0x9;
	_ =	strace $0x80000048  }
0xbb: {  	_ =	swait.ge [sflag:s29], $0x1  }
0xbc: {  	[sflag:s29] =	ssyncadd.s32 $0xFFFFFFFF  }
0xbd: {  	_ =	strace $0x90000048  }
0xbe: {  	_ =	sfence  }
0xbf: {  	s30 =	sld [smem:$0x0];
	_ =	sdelay $0x2  }
0xc0: {  	s31 =	sshll.u32 s1, $0xD;
	s1 =	sshrl.u32 s1, $0x2  }
0xc1: {  	s3 =	sand.u32 $0x4000, s31;
	s1 =	sadd.s32 s1, s30  }
0xc2: {  	s0 =	sor.u32 s3, s0;
	s1 =	sshll.u32 s1, $0x11  }
0xc3: {  	s0 =	sor.u32 s1, s0  }
0xc4: {  	s0 =	sadd.s32 $0x8F2B, s0  }
0xc5: {  	[sflag:s0] =	ssyncadd.remote.s32 $0x1  }
0xc6: {  	_ =	sfence.sel $0xFFFF  }
0xc7: {  	[dreg:$0x0] =	wrdreg $0xFFFFFFFF;
	(pc) =	sbr.abs _section_cstart, $3  }
0xc8: {  	[dreg:$0x1] =	wrdreg $0xFFFFFFFF  }
0xc9: {  	_ =	task.clear_ibuf [dreg:s11], $0x2FFFF;
	_ =	strace $0x9FFFFFFF  }
0xca: {  	(tm) =	ssettm $0x7FFFFFFF  }
0xcb: {  	_ =	shalt  }
tec
execute0_lowered:
.L_overlay_start_1:
0x0: {  	(tag) =	ssettag $0x1  }
0x1: {  	s1 =	rddreg [dreg:$0x0]  }
0x2: {  	s8 =	rddreg [dreg:$0x1]  }
0x3: {  	s10 =	rddreg [dreg:$0x2]  }
0x4: {  	s5 =	rddreg [dreg:$0x3]  }
0x5: {  	s7 =	rddreg [dreg:$0x4]  }
0x6: {  	s3 =	rddreg [dreg:$0x5]  }
0x7: {  	s0 =	rddreg [dreg:$0x6]  }
0x8: {  	s4 =	simm.s32 $0x0;
	s6 =	srdreg.scid;
	s2 =	stileid.u32  }
0x9: {  	s15 =	simm.s32 $0x100;
	s16 =	simm.s32 $0x2;
	s9 =	smul.u32 $0x4F000, s2  }
0xa: {  	s18 =	simm.s32 $0x0;
	[smem:$0x7FF] =	sst s4;
	s12 =	smul.u32 $0x13C00, s2  }
0xb: {  	s6 =	sand.u32 $0x1, s6;
	s29 =	smul.u32 $0x9E0, s2;
	s17 =	sshll.u32 s2, $0x6  }
0xc: {  	_ =	strace $0x80000047;
	s11 =	ssub.s32 $0x2, s6;
	s14 =	smul.u32 $0x13C000, s6  }
0xd: {  	s30 =	smul.u32 $0x4F0, s6;
	s6 =	sor.u32 $0x1C01, s17;
	s17 =	sor.u32 $0x1C03, s17  }
0xe: {  	s13 =	sshrl.u32 s11, $0x1;
	s9 =	sshrl.u32 s9, $0x2;
	s26 =	sshrl.u32 s12, $0x3  }
0xf: {  	s31 =	sadd.s32 s29, s8;
	s10 =	sadd.s32 s29, s10;
	s11 =	ssub.s32 s11, s13  }
0x10: {  	s25 =	sadd.s32 s9, s3;
	s5 =	sadd.s32 s5, s26;
	s28 =	sadd.s32 s12, s14  }
0x11: {  	s10 =	sadd.s32 s30, s10;
	s12 =	simm.s32 $0x1;
	s13 =	simm.s32 $0x3  }
0x12: {  	s14 =	simm.s32 $0x80;
	s9 =	sshrl.u32 s28, $0x3;
	s8 =	smax.u32 s11, $0x1  }
0x13: {  	s11 =	sshrl.u32 s25, $0x3;
	s7 =	sadd.s32 s7, s9;
	s9 =	sadd.s32 s30, s31  }
.LBB2_1:
0x14: {  	[spmem:s11], [sflag:s6] =	dma.local [hbm:s5], $0x2780  }
0x15: {  	_ =	swait.ge [sflag:s12], $0x2780  }
0x16: {  	[sflag:s12] =	ssyncset.done $0x0  }
0x17: {  	[sflag:s12] =	ssyncadd.s32 $0xFFFFD880  }
0x18: {  	s19 =	sadd.s32 $0x0, s9;
	[bflag:$0x0] =	sbarrier.arrive $0xFFFF  }
0x19: {  	[tilespmem:s4], [sflag:$0x3] =	stream.linear.gather [hbm4b:s19+s4], $0x80, $0x38;
	[tilespmem:$0x17D00] =	vst v63  }
0x1a: {  	_ =	swait.ge [sflag:s13], $0x80  }
0x1b: {  	[sflag:s13] =	ssyncset.done $0x0  }
0x1c: {  	s31 =	sadd.s32 $0x0, s10;
	[sflag:s13] =	ssyncadd.s32 $0xFFFFFF80  }
0x1d: {  	[tilespmem:s14], [sflag:$0x3] =	stream.linear.gather [hbm4b:s31+s4], $0x80, $0x38;
	[tilespmem:$0x17D00] =	vst v63  }
0x1e: {  	_ =	swait.ge [sflag:s13], $0x80  }
0x1f: {  	[sflag:s13] =	ssyncset.done $0x0  }
0x20: {  	[sflag:s13] =	ssyncadd.s32 $0xFFFFFF80  }
0x21: {  	[tilespmem:s15], [sflag:$0x2] =	stream.indirect.gather [hbm4b:s1+s14], $0x80, s4, s14, $0xb8;
	[tilespmem:$0x17D00] =	vst v63  }
0x22: {  	_ =	swait.ge [sflag:s16], $0x4000  }
0x23: {  	[sflag:s16] =	ssyncset.done $0x0  }
0x24: {  	[sflag:s16] =	ssyncadd.s32 $0xFFFFC000  }
0x25: {  	[spmem:s3] =	stream.indirect.scatter.add.f32 [tilespmem:s15], [sflag:$0x3], $0x80, s14, s14, $0xb8;
	[tilespmem:$0x17D00] =	vst v63  }
0x26: {  	_ =	swait.ge [sflag:s13], $0x4000  }
0x27: {  	s20 =	simm.s32 $0x20;
	s19 =	simm.s32 $0x10;
	[sflag:s13] =	ssyncset.done $0x0  }
.LBB2_2:
0x28: {  	s21 =	sadd.s32 s19, s9  }
0x29: {  	[sflag:s13] =	ssyncadd.s32 $0xFFFFC000;
	s22 =	smov.u32 s20;
	s23 =	sadd.s32 $0x10, s20  }
0x2a: {  	[tilespmem:s4], [sflag:$0x3] =	stream.linear.gather [hbm4b:s21+s4], $0x80, $0x38;
	[tilespmem:$0x17D00] =	vst v63  }
0x2b: {  	p0 =	sne.s32 s20, $0x4E0;
	_ =	swait.ge [sflag:s13], $0x80  }
0x2c: {  	[sflag:s13] =	ssyncset.done $0x0  }
0x2d: {  	s20 =	sadd.s32 s19, s10;
	s19 =	smov.u32 s22;
	[sflag:s13] =	ssyncadd.s32 $0xFFFFFF80  }
0x2e: {  	[tilespmem:s14], [sflag:$0x3] =	stream.linear.gather [hbm4b:s20+s4], $0x80, $0x38;
	[tilespmem:$0x17D00] =	vst v63  }
0x2f: {  	_ =	swait.ge [sflag:s13], $0x80  }
0x30: {  	[sflag:s13] =	ssyncset.done $0x0  }
0x31: {  	[sflag:s13] =	ssyncadd.s32 $0xFFFFFF80  }
0x32: {  	[tilespmem:s15], [sflag:$0x2] =	stream.indirect.gather [hbm4b:s1+s14], $0x80, s4, s14, $0xb8;
	[tilespmem:$0x17D00] =	vst v63  }
0x33: {  	_ =	swait.ge [sflag:s16], $0x4000  }
.Ltmp0:
0x34: {  	[sflag:s16] =	ssyncset.done $0x0;
	(pc) =	sbr.rel @p0 .LBB2_2-.Ltmp0, $4  }
0x35: {  	[sflag:s16] =	ssyncadd.s32 $0xFFFFC000  }
0x36: {  	[spmem:s3] =	stream.indirect.scatter.add.f32 [tilespmem:s15], [sflag:$0x3], $0x80, s14, s14, $0xb8;
	[tilespmem:$0x17D00] =	vst v63  }
0x37: {  	_ =	swait.ge [sflag:s13], $0x4000  }
0x38: {  	s20 =	smov.u32 s23;
	[sflag:s13] =	ssyncset.done $0x0  }
0x39: {  	s20 =	sadd.s32 s19, s9;
	[sflag:s13] =	ssyncadd.s32 $0xFFFFC000  }
0x3a: {  	[tilespmem:s4], [sflag:$0x3] =	stream.linear.gather [hbm4b:s20+s4], $0x80, $0x38;
	[tilespmem:$0x17D00] =	vst v63  }
0x3b: {  	_ =	swait.ge [sflag:s13], $0x80  }
0x3c: {  	[sflag:s13] =	ssyncset.done $0x0  }
0x3d: {  	s31 =	sadd.s32 s19, s10;
	[sflag:s13] =	ssyncadd.s32 $0xFFFFFF80  }
0x3e: {  	[tilespmem:s14], [sflag:$0x3] =	stream.linear.gather [hbm4b:s31+s4], $0x80, $0x38;
	[tilespmem:$0x17D00] =	vst v63  }
0x3f: {  	_ =	swait.ge [sflag:s13], $0x80  }
0x40: {  	[sflag:s13] =	ssyncset.done $0x0  }
0x41: {  	[sflag:s13] =	ssyncadd.s32 $0xFFFFFF80  }
0x42: {  	[tilespmem:s15], [sflag:$0x2] =	stream.indirect.gather [hbm4b:s1+s14], $0x80, s4, s14, $0xb8;
	[tilespmem:$0x17D00] =	vst v63  }
0x43: {  	_ =	swait.ge [sflag:s16], $0x4000  }
0x44: {  	[sflag:s16] =	ssyncset.done $0x0  }
0x45: {  	[sflag:s16] =	ssyncadd.s32 $0xFFFFC000  }
0x46: {  	[spmem:s3] =	stream.indirect.scatter.add.f32 [tilespmem:s15], [sflag:$0x3], $0x80, s14, s14, $0xb8;
	[tilespmem:$0x17D00] =	vst v63  }
0x47: {  	_ =	swait.ge [sflag:s13], $0x4000  }
0x48: {  	s18 =	sadd.s32 $0x1, s18;
	[sflag:s13] =	ssyncset.done $0x0  }
0x49: {  	p0 =	sne.s32 s18, s8;
	[sflag:s13] =	ssyncadd.s32 $0xFFFFC000  }
.Ltmp1:
0x4a: {  	[bflag:$0x0] =	sbarrier.arrive $0xFFFF;
	(pc) =	sbr.rel @p0 .LBB2_1-.Ltmp1, $4  }
0x4b: {  	[hbm:s7], [sflag:s17] =	dma.local [spmem:s11], $0x2780  }
0x4c: {  	_ =	swait.ge [sflag:s13], $0x2780  }
0x4d: {  	[sflag:s13] =	ssyncset.done $0x0  }
0x4e: {  	[sflag:s13] =	ssyncadd.s32 $0xFFFFD880  }
0x4f: {  	_ =	sfence.sel $0x180000  }
0x50: {  	[bflag:$0x0] =	sbarrier.arrive $0xFFFF  }
0x51: {  	p0 =	sne.s32 s2, $0x0;
	_ =	strace $0x90000047  }
0x52: {  	s0 =	sadd.s32 @!p0 $0x100000, s0;
	[bflag:$0x2] =	sbarrier.arrive $0xFFFF  }
0x53: {  	[sflag:s0] =	ssyncadd.tile.s32 @!p0 $0x1;
	_ =	shalt  }
.Lfunc_end2:
_tile_overlayer_lowered:
.L_overlay_start_2:
0x54: {  	(tag) =	ssettag $0x2  }
0x55: {  	s0 =	rddreg [dreg:$0x0];
	s2 =	stileid.u32  }
0x56: {  	s1 =	rddreg [dreg:$0x1];
	p0 =	sne.s32 s2, $0x0  }
0x57: {  	s3 =	rddreg [dreg:$0x2];
	[bflag:$0x3] =	sbarrier.arrive $0xFFFF;
	s2 =	simm.s32 @!p0 $0x1C03  }
0x58: {  	[timem:s3], [sflag:s2] =	dma.local @!p0 [hbm:s0], s1  }
0x59: {  	s0 =	simm.s32 @!p0 $0x3  }
0x5a: {  	_ =	swait.ge @!p0 [sflag:s0], s1  }
0x5b: {  	s1 =	ssub.s32 @!p0 $0x0, s1;
	[sflag:s0] =	ssyncset.done @!p0 $0x0  }
0x5c: {  	[sflag:s0] =	ssyncadd.s32 @!p0 s1  }
0x5d: {  	[bflag:$0x3] =	sbarrier.arrive $0xFFFF  }
0x5e: {  	_ =	shalt  }

</sc_bundles>
